<compile_context>
chip_gen: v7x
topology: tpu7x:2x2x1
jax: 0.10.2.dev20260603
libtpu: 0.0.44.dev20260713+nightly
codegen_flags: <defaults>
</compile_context>

<pallas_src>
import functools

import jax
import jax.numpy as jnp
from jax import lax
from jax.experimental import pallas as pl
from jax.experimental.pallas import tpu as pltpu
from jax.experimental.pallas import tpu_sc as plsc

VOCAB = 1000000
EMBED_DIM = 32
BATCH = 16384

_info = plsc.get_sparse_core_info()
_NC, _NS = _info.num_cores, _info.num_subcores
_NW = _NC * _NS
_B_PER_W = BATCH // _NW
_BLK = 16
_N_BLK = _B_PER_W // _BLK

_mesh = plsc.VectorSubcoreMesh(core_axis_name="c", subcore_axis_name="s")


@functools.partial(
    pl.kernel,
    mesh=_mesh,
    out_type=jax.ShapeDtypeStruct((BATCH, EMBED_DIM), jnp.float32),
    compiler_params=pltpu.CompilerParams(use_tc_tiling_on_sc=True),
    scratch_types=[
        pltpu.VMEM((_B_PER_W,), jnp.int32),
        pltpu.VMEM((_B_PER_W, EMBED_DIM), jnp.float32),
        pltpu.SemaphoreType.DMA,
    ],
)
def _gather_kernel(table_hbm, idx_hbm, out_hbm, idx_v, rows_v, sem):
    wid = lax.axis_index("s") * _NC + lax.axis_index("c")
    pltpu.sync_copy(idx_hbm.at[wid], idx_v)

    def drain_block(b):
        pltpu.make_async_copy(
            table_hbm.at[pl.ds(0, _BLK)], rows_v.at[pl.ds(b * _BLK, _BLK)], sem
        ).wait()

    def body(j, carry):
        base = j * _BLK
        v = idx_v[pl.ds(base, _BLK)]
        for t in range(_BLK):
            r = v[t]
            pltpu.async_copy(
                table_hbm.at[pl.ds(r, 1)],
                rows_v.at[pl.ds(base + t, 1)],
                sem,
            )

        @pl.when(j > 0)
        def _():
            drain_block(j - 1)

        return carry

    lax.fori_loop(0, _N_BLK, body, 0)
    drain_block(_N_BLK - 1)

    pltpu.sync_copy(rows_v, out_hbm.at[pl.ds(wid * _B_PER_W, _B_PER_W)])


def kernel(indices, table):
    idx = indices.astype(jnp.int32).reshape(_NW, _B_PER_W)
    return _gather_kernel(table, idx)

# --- scband reference (transcript-rebuilt; emitter-appended) ---
"""Pipeline reference for scband-attr-embedding-40690520162552 (READ-ONLY COPY).

The authoritative reference and input builder live on the scoring server;
editing this copy changes nothing except your own understanding.
"""

import jax, jax.numpy as jnp
import numpy as np

VOCAB = 1000000
EMBED_DIM = 32
BATCH = 16384

def setup_inputs(seed: int = 0) -> dict:
    key = jax.random.key(seed)
    k_idx, k_tab = jax.random.split(key)
    indices = jax.random.randint(k_idx, (BATCH,), 0, VOCAB, dtype=jnp.int64 if jax.config.jax_enable_x64 else jnp.int32)
    table = jax.random.normal(k_tab, (VOCAB, EMBED_DIM), dtype=jnp.float32)
    return {"indices": indices, "table": table}

def reference(indices, table):
    # AttrEmbedding.get_embeddings: per-row lookup into a pretrained
    # embedding table, stacked into a batch. Equivalent to a single gather.
    vec = jnp.take(table, indices, axis=0)
    return vec

if __name__ == "__main__":
    import jax
    _d = setup_inputs()
    print(jax.jit(kernel)(*tuple(_d.values())))

</pallas_src>

<mosaic_0001>
#map = affine_map<(d0, d1) -> (0, 0)>
module attributes {stable_mosaic.version = 14 : i64} {
  func.func @_gather_kernel(%arg0: i32, %arg1: i32, %arg2: memref<1000000x32xf32, #tpu.memory_space<hbm>>, %arg3: memref<32x512xi32, #tpu.memory_space<hbm>>, %arg4: memref<16384x32xf32, #tpu.memory_space<hbm>>, %arg5: memref<512xi32, #tpu.memory_space<vmem>>, %arg6: memref<512x32xf32, #tpu.memory_space<vmem>>, %arg7: memref<!tpu.dma_semaphore, #tpu.memory_space<semaphore_mem>>) attributes {dimension_semantics = [#tpu.dimension_semantics<core_parallel>, #tpu.dimension_semantics<subcore_parallel>], iteration_bounds = array<i64: 2, 16>, scalar_prefetch = 0 : i64, scratch_operands = 3 : i64, tpu.core_type = #tpu.core_type<sc_vector_subcore>, window_params = [{transform_indices = #map}, {transform_indices = #map}, {transform_indices = #map}]} {
    %mul3A = arith.constant 2 : i32
    %mul3A_0 = arith.muli %arg1, %mul3A : i32
    %add3A = arith.addi %mul3A_0, %arg0 : i32
    "tpu.region"() ({
      %run_scoped3A = tpu.sem_alloc : memref<!tpu.dma_semaphore, #tpu.memory_space<semaphore_mem>>
      %dma_start3A = arith.constant 0 : i32
      %dma_start3A_19 = tpu.memref_slice %arg3[%add3A, %dma_start3A] : memref<32x512xi32, #tpu.memory_space<hbm>> -> memref<1x512xi32, #tpu.memory_space<hbm>>
      %dma_start3A_20 = tpu.memref_squeeze %dma_start3A_19 : memref<1x512xi32, #tpu.memory_space<hbm>> -> memref<512xi32, #tpu.memory_space<hbm>>
      %dma_start3A_21 = arith.constant 0 : i32
      %dma_start3A_22 = tpu.memref_slice %arg3[%add3A, %dma_start3A_21] : memref<32x512xi32, #tpu.memory_space<hbm>> -> memref<1x512xi32, #tpu.memory_space<hbm>>
      %dma_start3A_23 = tpu.memref_squeeze %dma_start3A_22 : memref<1x512xi32, #tpu.memory_space<hbm>> -> memref<512xi32, #tpu.memory_space<hbm>>
      tpu.enqueue_dma source(%dma_start3A_23 : memref<512xi32, #tpu.memory_space<hbm>>) target(%arg5 : memref<512xi32, #tpu.memory_space<vmem>>) target_semaphore(%run_scoped3A : memref<!tpu.dma_semaphore, #tpu.memory_space<semaphore_mem>>)
      %dma_wait3A_24 = arith.constant 0 : i32
      %dma_wait3A_25 = tpu.memref_slice %arg3[%add3A, %dma_wait3A_24] : memref<32x512xi32, #tpu.memory_space<hbm>> -> memref<1x512xi32, #tpu.memory_space<hbm>>
      %dma_wait3A_26 = tpu.memref_squeeze %dma_wait3A_25 : memref<1x512xi32, #tpu.memory_space<hbm>> -> memref<512xi32, #tpu.memory_space<hbm>>
      %dma_wait3A_27 = arith.constant 0 : i32
      %dma_wait3A_28 = tpu.memref_slice %arg3[%add3A, %dma_wait3A_27] : memref<32x512xi32, #tpu.memory_space<hbm>> -> memref<1x512xi32, #tpu.memory_space<hbm>>
      %dma_wait3A_29 = tpu.memref_squeeze %dma_wait3A_28 : memref<1x512xi32, #tpu.memory_space<hbm>> -> memref<512xi32, #tpu.memory_space<hbm>>
      tpu.wait_dma2 semaphore(%run_scoped3A : memref<!tpu.dma_semaphore, #tpu.memory_space<semaphore_mem>>) src(%dma_wait3A_29 : memref<512xi32, #tpu.memory_space<hbm>>) dst(%arg5 : memref<512xi32, #tpu.memory_space<vmem>>)
      tpu.yield
    }) : () -> ()
    %scan3A = arith.constant 0 : i32
    %scan3A_1 = arith.constant 0 : i32
    %scan3A_2 = arith.constant 32 : i32
    %scan3A_3 = arith.addi %scan3A_1, %scan3A_2 : i32
    %scan3A_4 = arith.constant 1 : i32
    scf.for %scan3A_19 = %scan3A_1 to %scan3A_3 step %scan3A_4  : i32 {
      %mul3A_20 = arith.constant 16 : i32
      %mul3A_21 = arith.muli %scan3A_19, %mul3A_20 : i32
      %get3A = arith.index_cast %mul3A_21 : i32 to index
      %get3A_22 = tpu.vector_load %arg5[%get3A] {strides = array<i32>} : memref<512xi32, #tpu.memory_space<vmem>>, vector<16xi32>,
      %get3A_23 = vector.shape_cast %get3A_22 : vector<16xi32> to vector<16xi32>
      %slice3A = vector.extract_strided_slice %get3A_23 {offsets = [0], sizes = [1], strides = [1]} : vector<16xi32> to vector<1xi32>
      %squeeze3A = vector.extract %slice3A[0] : i32 from vector<1xi32>
      %add3A_24 = arith.constant 0 : i32
      %add3A_25 = arith.addi %mul3A_21, %add3A_24 : i32
      %dma_start3A = arith.constant 0 : i32
      %dma_start3A_26 = tpu.memref_slice %arg6[%add3A_25, %dma_start3A] : memref<512x32xf32, #tpu.memory_space<vmem>> -> memref<1x32xf32, #tpu.memory_space<vmem>>
      %dma_start3A_27 = arith.constant 0 : i32
      %dma_start3A_28 = tpu.memref_slice %arg2[%squeeze3A, %dma_start3A_27] : memref<1000000x32xf32, #tpu.memory_space<hbm>> -> memref<1x32xf32, #tpu.memory_space<hbm>>
      %dma_start3A_29 = arith.constant 0 : i32
      %dma_start3A_30 = tpu.memref_slice %arg6[%add3A_25, %dma_start3A_29] : memref<512x32xf32, #tpu.memory_space<vmem>> -> memref<1x32xf32, #tpu.memory_space<vmem>>
      %dma_start3A_31 = arith.constant 0 : i32
      %dma_start3A_32 = tpu.memref_slice %arg2[%squeeze3A, %dma_start3A_31] : memref<1000000x32xf32, #tpu.memory_space<hbm>> -> memref<1x32xf32, #tpu.memory_space<hbm>>
      tpu.enqueue_dma source(%dma_start3A_32 : memref<1x32xf32, #tpu.memory_space<hbm>>) target(%dma_start3A_30 : memref<1x32xf32, #tpu.memory_space<vmem>>) target_semaphore(%arg7 : memref<!tpu.dma_semaphore, #tpu.memory_space<semaphore_mem>>)
      %slice3A_33 = vector.extract_strided_slice %get3A_23 {offsets = [1], sizes = [1], strides = [1]} : vector<16xi32> to vector<1xi32>
      %squeeze3A_34 = vector.extract %slice3A_33[0] : i32 from vector<1xi32>
      %add3A_35 = arith.constant 1 : i32
      %add3A_36 = arith.addi %mul3A_21, %add3A_35 : i32
      %dma_start3A_37 = arith.constant 0 : i32
      %dma_start3A_38 = tpu.memref_slice %arg6[%add3A_36, %dma_start3A_37] : memref<512x32xf32, #tpu.memory_space<vmem>> -> memref<1x32xf32, #tpu.memory_space<vmem>>
      %dma_start3A_39 = arith.constant 0 : i32
      %dma_start3A_40 = tpu.memref_slice %arg2[%squeeze3A_34, %dma_start3A_39] : memref<1000000x32xf32, #tpu.memory_space<hbm>> -> memref<1x32xf32, #tpu.memory_space<hbm>>
      %dma_start3A_41 = arith.constant 0 : i32
      %dma_start3A_42 = tpu.memref_slice %arg6[%add3A_36, %dma_start3A_41] : memref<512x32xf32, #tpu.memory_space<vmem>> -> memref<1x32xf32, #tpu.memory_space<vmem>>
      %dma_start3A_43 = arith.constant 0 : i32
      %dma_start3A_44 = tpu.memref_slice %arg2[%squeeze3A_34, %dma_start3A_43] : memref<1000000x32xf32, #tpu.memory_space<hbm>> -> memref<1x32xf32, #tpu.memory_space<hbm>>
      tpu.enqueue_dma source(%dma_start3A_44 : memref<1x32xf32, #tpu.memory_space<hbm>>) target(%dma_start3A_42 : memref<1x32xf32, #tpu.memory_space<vmem>>) target_semaphore(%arg7 : memref<!tpu.dma_semaphore, #tpu.memory_space<semaphore_mem>>)
      %slice3A_45 = vector.extract_strided_slice %get3A_23 {offsets = [2], sizes = [1], strides = [1]} : vector<16xi32> to vector<1xi32>
      %squeeze3A_46 = vector.extract %slice3A_45[0] : i32 from vector<1xi32>
      %add3A_47 = arith.constant 2 : i32
      %add3A_48 = arith.addi %mul3A_21, %add3A_47 : i32
      %dma_start3A_49 = arith.constant 0 : i32
      %dma_start3A_50 = tpu.memref_slice %arg6[%add3A_48, %dma_start3A_49] : memref<512x32xf32, #tpu.memory_space<vmem>> -> memref<1x32xf32, #tpu.memory_space<vmem>>
      %dma_start3A_51 = arith.constant 0 : i32
      %dma_start3A_52 = tpu.memref_slice %arg2[%squeeze3A_46, %dma_start3A_51] : memref<1000000x32xf32, #tpu.memory_space<hbm>> -> memref<1x32xf32, #tpu.memory_space<hbm>>
      %dma_start3A_53 = arith.constant 0 : i32
      %dma_start3A_54 = tpu.memref_slice %arg6[%add3A_48, %dma_start3A_53] : memref<512x32xf32, #tpu.memory_space<vmem>> -> memref<1x32xf32, #tpu.memory_space<vmem>>
      %dma_start3A_55 = arith.constant 0 : i32
      %dma_start3A_56 = tpu.memref_slice %arg2[%squeeze3A_46, %dma_start3A_55] : memref<1000000x32xf32, #tpu.memory_space<hbm>> -> memref<1x32xf32, #tpu.memory_space<hbm>>
      tpu.enqueue_dma source(%dma_start3A_56 : memref<1x32xf32, #tpu.memory_space<hbm>>) target(%dma_start3A_54 : memref<1x32xf32, #tpu.memory_space<vmem>>) target_semaphore(%arg7 : memref<!tpu.dma_semaphore, #tpu.memory_space<semaphore_mem>>)
      %slice3A_57 = vector.extract_strided_slice %get3A_23 {offsets = [3], sizes = [1], strides = [1]} : vector<16xi32> to vector<1xi32>
      %squeeze3A_58 = vector.extract %slice3A_57[0] : i32 from vector<1xi32>
      %add3A_59 = arith.constant 3 : i32
      %add3A_60 = arith.addi %mul3A_21, %add3A_59 : i32
      %dma_start3A_61 = arith.constant 0 : i32
      %dma_start3A_62 = tpu.memref_slice %arg6[%add3A_60, %dma_start3A_61] : memref<512x32xf32, #tpu.memory_space<vmem>> -> memref<1x32xf32, #tpu.memory_space<vmem>>
      %dma_start3A_63 = arith.constant 0 : i32
      %dma_start3A_64 = tpu.memref_slice %arg2[%squeeze3A_58, %dma_start3A_63] : memref<1000000x32xf32, #tpu.memory_space<hbm>> -> memref<1x32xf32, #tpu.memory_space<hbm>>
      %dma_start3A_65 = arith.constant 0 : i32
      %dma_start3A_66 = tpu.memref_slice %arg6[%add3A_60, %dma_start3A_65] : memref<512x32xf32, #tpu.memory_space<vmem>> -> memref<1x32xf32, #tpu.memory_space<vmem>>
      %dma_start3A_67 = arith.constant 0 : i32
      %dma_start3A_68 = tpu.memref_slice %arg2[%squeeze3A_58, %dma_start3A_67] : memref<1000000x32xf32, #tpu.memory_space<hbm>> -> memref<1x32xf32, #tpu.memory_space<hbm>>
      tpu.enqueue_dma source(%dma_start3A_68 : memref<1x32xf32, #tpu.memory_space<hbm>>) target(%dma_start3A_66 : memref<1x32xf32, #tpu.memory_space<vmem>>) target_semaphore(%arg7 : memref<!tpu.dma_semaphore, #tpu.memory_space<semaphore_mem>>)
      %slice3A_69 = vector.extract_strided_slice %get3A_23 {offsets = [4], sizes = [1], strides = [1]} : vector<16xi32> to vector<1xi32>
      %squeeze3A_70 = vector.extract %slice3A_69[0] : i32 from vector<1xi32>
      %add3A_71 = arith.constant 4 : i32
      %add3A_72 = arith.addi %mul3A_21, %add3A_71 : i32
      %dma_start3A_73 = arith.constant 0 : i32
      %dma_start3A_74 = tpu.memref_slice %arg6[%add3A_72, %dma_start3A_73] : memref<512x32xf32, #tpu.memory_space<vmem>> -> memref<1x32xf32, #tpu.memory_space<vmem>>
      %dma_start3A_75 = arith.constant 0 : i32
      %dma_start3A_76 = tpu.memref_slice %arg2[%squeeze3A_70, %dma_start3A_75] : memref<1000000x32xf32, #tpu.memory_space<hbm>> -> memref<1x32xf32, #tpu.memory_space<hbm>>
      %dma_start3A_77 = arith.constant 0 : i32
      %dma_start3A_78 = tpu.memref_slice %arg6[%add3A_72, %dma_start3A_77] : memref<512x32xf32, #tpu.memory_space<vmem>> -> memref<1x32xf32, #tpu.memory_space<vmem>>
      %dma_start3A_79 = arith.constant 0 : i32
      %dma_start3A_80 = tpu.memref_slice %arg2[%squeeze3A_70, %dma_start3A_79] : memref<1000000x32xf32, #tpu.memory_space<hbm>> -> memref<1x32xf32, #tpu.memory_space<hbm>>
      tpu.enqueue_dma source(%dma_start3A_80 : memref<1x32xf32, #tpu.memory_space<hbm>>) target(%dma_start3A_78 : memref<1x32xf32, #tpu.memory_space<vmem>>) target_semaphore(%arg7 : memref<!tpu.dma_semaphore, #tpu.memory_space<semaphore_mem>>)
      %slice3A_81 = vector.extract_strided_slice %get3A_23 {offsets = [5], sizes = [1], strides = [1]} : vector<16xi32> to vector<1xi32>
      %squeeze3A_82 = vector.extract %slice3A_81[0] : i32 from vector<1xi32>
      %add3A_83 = arith.constant 5 : i32
      %add3A_84 = arith.addi %mul3A_21, %add3A_83 : i32
      %dma_start3A_85 = arith.constant 0 : i32
      %dma_start3A_86 = tpu.memref_slice %arg6[%add3A_84, %dma_start3A_85] : memref<512x32xf32, #tpu.memory_space<vmem>> -> memref<1x32xf32, #tpu.memory_space<vmem>>
      %dma_start3A_87 = arith.constant 0 : i32
      %dma_start3A_88 = tpu.memref_slice %arg2[%squeeze3A_82, %dma_start3A_87] : memref<1000000x32xf32, #tpu.memory_space<hbm>> -> memref<1x32xf32, #tpu.memory_space<hbm>>
      %dma_start3A_89 = arith.constant 0 : i32
      %dma_start3A_90 = tpu.memref_slice %arg6[%add3A_84, %dma_start3A_89] : memref<512x32xf32, #tpu.memory_space<vmem>> -> memref<1x32xf32, #tpu.memory_space<vmem>>
      %dma_start3A_91 = arith.constant 0 : i32
      %dma_start3A_92 = tpu.memref_slice %arg2[%squeeze3A_82, %dma_start3A_91] : memref<1000000x32xf32, #tpu.memory_space<hbm>> -> memref<1x32xf32, #tpu.memory_space<hbm>>
      tpu.enqueue_dma source(%dma_start3A_92 : memref<1x32xf32, #tpu.memory_space<hbm>>) target(%dma_start3A_90 : memref<1x32xf32, #tpu.memory_space<vmem>>) target_semaphore(%arg7 : memref<!tpu.dma_semaphore, #tpu.memory_space<semaphore_mem>>)
      %slice3A_93 = vector.extract_strided_slice %get3A_23 {offsets = [6], sizes = [1], strides = [1]} : vector<16xi32> to vector<1xi32>
      %squeeze3A_94 = vector.extract %slice3A_93[0] : i32 from vector<1xi32>
      %add3A_95 = arith.constant 6 : i32
      %add3A_96 = arith.addi %mul3A_21, %add3A_95 : i32
      %dma_start3A_97 = arith.constant 0 : i32
      %dma_start3A_98 = tpu.memref_slice %arg6[%add3A_96, %dma_start3A_97] : memref<512x32xf32, #tpu.memory_space<vmem>> -> memref<1x32xf32, #tpu.memory_space<vmem>>
      %dma_start3A_99 = arith.constant 0 : i32
      %dma_start3A_100 = tpu.memref_slice %arg2[%squeeze3A_94, %dma_start3A_99] : memref<1000000x32xf32, #tpu.memory_space<hbm>> -> memref<1x32xf32, #tpu.memory_space<hbm>>
      %dma_start3A_101 = arith.constant 0 : i32
      %dma_start3A_102 = tpu.memref_slice %arg6[%add3A_96, %dma_start3A_101] : memref<512x32xf32, #tpu.memory_space<vmem>> -> memref<1x32xf32, #tpu.memory_space<vmem>>
      %dma_start3A_103 = arith.constant 0 : i32
      %dma_start3A_104 = tpu.memref_slice %arg2[%squeeze3A_94, %dma_start3A_103] : memref<1000000x32xf32, #tpu.memory_space<hbm>> -> memref<1x32xf32, #tpu.memory_space<hbm>>
      tpu.enqueue_dma source(%dma_start3A_104 : memref<1x32xf32, #tpu.memory_space<hbm>>) target(%dma_start3A_102 : memref<1x32xf32, #tpu.memory_space<vmem>>) target_semaphore(%arg7 : memref<!tpu.dma_semaphore, #tpu.memory_space<semaphore_mem>>)
      %slice3A_105 = vector.extract_strided_slice %get3A_23 {offsets = [7], sizes = [1], strides = [1]} : vector<16xi32> to vector<1xi32>
      %squeeze3A_106 = vector.extract %slice3A_105[0] : i32 from vector<1xi32>
      %add3A_107 = arith.constant 7 : i32
      %add3A_108 = arith.addi %mul3A_21, %add3A_107 : i32
      %dma_start3A_109 = arith.constant 0 : i32
      %dma_start3A_110 = tpu.memref_slice %arg6[%add3A_108, %dma_start3A_109] : memref<512x32xf32, #tpu.memory_space<vmem>> -> memref<1x32xf32, #tpu.memory_space<vmem>>
      %dma_start3A_111 = arith.constant 0 : i32
      %dma_start3A_112 = tpu.memref_slice %arg2[%squeeze3A_106, %dma_start3A_111] : memref<1000000x32xf32, #tpu.memory_space<hbm>> -> memref<1x32xf32, #tpu.memory_space<hbm>>
      %dma_start3A_113 = arith.constant 0 : i32
      %dma_start3A_114 = tpu.memref_slice %arg6[%add3A_108, %dma_start3A_113] : memref<512x32xf32, #tpu.memory_space<vmem>> -> memref<1x32xf32, #tpu.memory_space<vmem>>
      %dma_start3A_115 = arith.constant 0 : i32
      %dma_start3A_116 = tpu.memref_slice %arg2[%squeeze3A_106, %dma_start3A_115] : memref<1000000x32xf32, #tpu.memory_space<hbm>> -> memref<1x32xf32, #tpu.memory_space<hbm>>
      tpu.enqueue_dma source(%dma_start3A_116 : memref<1x32xf32, #tpu.memory_space<hbm>>) target(%dma_start3A_114 : memref<1x32xf32, #tpu.memory_space<vmem>>) target_semaphore(%arg7 : memref<!tpu.dma_semaphore, #tpu.memory_space<semaphore_mem>>)
      %slice3A_117 = vector.extract_strided_slice %get3A_23 {offsets = [8], sizes = [1], strides = [1]} : vector<16xi32> to vector<1xi32>
      %squeeze3A_118 = vector.extract %slice3A_117[0] : i32 from vector<1xi32>
      %add3A_119 = arith.constant 8 : i32
      %add3A_120 = arith.addi %mul3A_21, %add3A_119 : i32
      %dma_start3A_121 = arith.constant 0 : i32
      %dma_start3A_122 = tpu.memref_slice %arg6[%add3A_120, %dma_start3A_121] : memref<512x32xf32, #tpu.memory_space<vmem>> -> memref<1x32xf32, #tpu.memory_space<vmem>>
      %dma_start3A_123 = arith.constant 0 : i32
      %dma_start3A_124 = tpu.memref_slice %arg2[%squeeze3A_118, %dma_start3A_123] : memref<1000000x32xf32, #tpu.memory_space<hbm>> -> memref<1x32xf32, #tpu.memory_space<hbm>>
      %dma_start3A_125 = arith.constant 0 : i32
      %dma_start3A_126 = tpu.memref_slice %arg6[%add3A_120, %dma_start3A_125] : memref<512x32xf32, #tpu.memory_space<vmem>> -> memref<1x32xf32, #tpu.memory_space<vmem>>
      %dma_start3A_127 = arith.constant 0 : i32
      %dma_start3A_128 = tpu.memref_slice %arg2[%squeeze3A_118, %dma_start3A_127] : memref<1000000x32xf32, #tpu.memory_space<hbm>> -> memref<1x32xf32, #tpu.memory_space<hbm>>
      tpu.enqueue_dma source(%dma_start3A_128 : memref<1x32xf32, #tpu.memory_space<hbm>>) target(%dma_start3A_126 : memref<1x32xf32, #tpu.memory_space<vmem>>) target_semaphore(%arg7 : memref<!tpu.dma_semaphore, #tpu.memory_space<semaphore_mem>>)
      %slice3A_129 = vector.extract_strided_slice %get3A_23 {offsets = [9], sizes = [1], strides = [1]} : vector<16xi32> to vector<1xi32>
      %squeeze3A_130 = vector.extract %slice3A_129[0] : i32 from vector<1xi32>
      %add3A_131 = arith.constant 9 : i32
      %add3A_132 = arith.addi %mul3A_21, %add3A_131 : i32
      %dma_start3A_133 = arith.constant 0 : i32
      %dma_start3A_134 = tpu.memref_slice %arg6[%add3A_132, %dma_start3A_133] : memref<512x32xf32, #tpu.memory_space<vmem>> -> memref<1x32xf32, #tpu.memory_space<vmem>>
      %dma_start3A_135 = arith.constant 0 : i32
      %dma_start3A_136 = tpu.memref_slice %arg2[%squeeze3A_130, %dma_start3A_135] : memref<1000000x32xf32, #tpu.memory_space<hbm>> -> memref<1x32xf32, #tpu.memory_space<hbm>>
      %dma_start3A_137 = arith.constant 0 : i32
      %dma_start3A_138 = tpu.memref_slice %arg6[%add3A_132, %dma_start3A_137] : memref<512x32xf32, #tpu.memory_space<vmem>> -> memref<1x32xf32, #tpu.memory_space<vmem>>
      %dma_start3A_139 = arith.constant 0 : i32
      %dma_start3A_140 = tpu.memref_slice %arg2[%squeeze3A_130, %dma_start3A_139] : memref<1000000x32xf32, #tpu.memory_space<hbm>> -> memref<1x32xf32, #tpu.memory_space<hbm>>
      tpu.enqueue_dma source(%dma_start3A_140 : memref<1x32xf32, #tpu.memory_space<hbm>>) target(%dma_start3A_138 : memref<1x32xf32, #tpu.memory_space<vmem>>) target_semaphore(%arg7 : memref<!tpu.dma_semaphore, #tpu.memory_space<semaphore_mem>>)
      %slice3A_141 = vector.extract_strided_slice %get3A_23 {offsets = [10], sizes = [1], strides = [1]} : vector<16xi32> to vector<1xi32>
      %squeeze3A_142 = vector.extract %slice3A_141[0] : i32 from vector<1xi32>
      %add3A_143 = arith.constant 10 : i32
      %add3A_144 = arith.addi %mul3A_21, %add3A_143 : i32
      %dma_start3A_145 = arith.constant 0 : i32
      %dma_start3A_146 = tpu.memref_slice %arg6[%add3A_144, %dma_start3A_145] : memref<512x32xf32, #tpu.memory_space<vmem>> -> memref<1x32xf32, #tpu.memory_space<vmem>>
      %dma_start3A_147 = arith.constant 0 : i32
      %dma_start3A_148 = tpu.memref_slice %arg2[%squeeze3A_142, %dma_start3A_147] : memref<1000000x32xf32, #tpu.memory_space<hbm>> -> memref<1x32xf32, #tpu.memory_space<hbm>>
      %dma_start3A_149 = arith.constant 0 : i32
      %dma_start3A_150 = tpu.memref_slice %arg6[%add3A_144, %dma_start3A_149] : memref<512x32xf32, #tpu.memory_space<vmem>> -> memref<1x32xf32, #tpu.memory_space<vmem>>
      %dma_start3A_151 = arith.constant 0 : i32
      %dma_start3A_152 = tpu.memref_slice %arg2[%squeeze3A_142, %dma_start3A_151] : memref<1000000x32xf32, #tpu.memory_space<hbm>> -> memref<1x32xf32, #tpu.memory_space<hbm>>
      tpu.enqueue_dma source(%dma_start3A_152 : memref<1x32xf32, #tpu.memory_space<hbm>>) target(%dma_start3A_150 : memref<1x32xf32, #tpu.memory_space<vmem>>) target_semaphore(%arg7 : memref<!tpu.dma_semaphore, #tpu.memory_space<semaphore_mem>>)
      %slice3A_153 = vector.extract_strided_slice %get3A_23 {offsets = [11], sizes = [1], strides = [1]} : vector<16xi32> to vector<1xi32>
      %squeeze3A_154 = vector.extract %slice3A_153[0] : i32 from vector<1xi32>
      %add3A_155 = arith.constant 11 : i32
      %add3A_156 = arith.addi %mul3A_21, %add3A_155 : i32
      %dma_start3A_157 = arith.constant 0 : i32
      %dma_start3A_158 = tpu.memref_slice %arg6[%add3A_156, %dma_start3A_157] : memref<512x32xf32, #tpu.memory_space<vmem>> -> memref<1x32xf32, #tpu.memory_space<vmem>>
      %dma_start3A_159 = arith.constant 0 : i32
      %dma_start3A_160 = tpu.memref_slice %arg2[%squeeze3A_154, %dma_start3A_159] : memref<1000000x32xf32, #tpu.memory_space<hbm>> -> memref<1x32xf32, #tpu.memory_space<hbm>>
      %dma_start3A_161 = arith.constant 0 : i32
      %dma_start3A_162 = tpu.memref_slice %arg6[%add3A_156, %dma_start3A_161] : memref<512x32xf32, #tpu.memory_space<vmem>> -> memref<1x32xf32, #tpu.memory_space<vmem>>
      %dma_start3A_163 = arith.constant 0 : i32
      %dma_start3A_164 = tpu.memref_slice %arg2[%squeeze3A_154, %dma_start3A_163] : memref<1000000x32xf32, #tpu.memory_space<hbm>> -> memref<1x32xf32, #tpu.memory_space<hbm>>
      tpu.enqueue_dma source(%dma_start3A_164 : memref<1x32xf32, #tpu.memory_space<hbm>>) target(%dma_start3A_162 : memref<1x32xf32, #tpu.memory_space<vmem>>) target_semaphore(%arg7 : memref<!tpu.dma_semaphore, #tpu.memory_space<semaphore_mem>>)
      %slice3A_165 = vector.extract_strided_slice %get3A_23 {offsets = [12], sizes = [1], strides = [1]} : vector<16xi32> to vector<1xi32>
      %squeeze3A_166 = vector.extract %slice3A_165[0] : i32 from vector<1xi32>
      %add3A_167 = arith.constant 12 : i32
      %add3A_168 = arith.addi %mul3A_21, %add3A_167 : i32
      %dma_start3A_169 = arith.constant 0 : i32
      %dma_start3A_170 = tpu.memref_slice %arg6[%add3A_168, %dma_start3A_169] : memref<512x32xf32, #tpu.memory_space<vmem>> -> memref<1x32xf32, #tpu.memory_space<vmem>>
      %dma_start3A_171 = arith.constant 0 : i32
      %dma_start3A_172 = tpu.memref_slice %arg2[%squeeze3A_166, %dma_start3A_171] : memref<1000000x32xf32, #tpu.memory_space<hbm>> -> memref<1x32xf32, #tpu.memory_space<hbm>>
      %dma_start3A_173 = arith.constant 0 : i32
      %dma_start3A_174 = tpu.memref_slice %arg6[%add3A_168, %dma_start3A_173] : memref<512x32xf32, #tpu.memory_space<vmem>> -> memref<1x32xf32, #tpu.memory_space<vmem>>
      %dma_start3A_175 = arith.constant 0 : i32
      %dma_start3A_176 = tpu.memref_slice %arg2[%squeeze3A_166, %dma_start3A_175] : memref<1000000x32xf32, #tpu.memory_space<hbm>> -> memref<1x32xf32, #tpu.memory_space<hbm>>
      tpu.enqueue_dma source(%dma_start3A_176 : memref<1x32xf32, #tpu.memory_space<hbm>>) target(%dma_start3A_174 : memref<1x32xf32, #tpu.memory_space<vmem>>) target_semaphore(%arg7 : memref<!tpu.dma_semaphore, #tpu.memory_space<semaphore_mem>>)
      %slice3A_177 = vector.extract_strided_slice %get3A_23 {offsets = [13], sizes = [1], strides = [1]} : vector<16xi32> to vector<1xi32>
      %squeeze3A_178 = vector.extract %slice3A_177[0] : i32 from vector<1xi32>
      %add3A_179 = arith.constant 13 : i32
      %add3A_180 = arith.addi %mul3A_21, %add3A_179 : i32
      %dma_start3A_181 = arith.constant 0 : i32
      %dma_start3A_182 = tpu.memref_slice %arg6[%add3A_180, %dma_start3A_181] : memref<512x32xf32, #tpu.memory_space<vmem>> -> memref<1x32xf32, #tpu.memory_space<vmem>>
      %dma_start3A_183 = arith.constant 0 : i32
      %dma_start3A_184 = tpu.memref_slice %arg2[%squeeze3A_178, %dma_start3A_183] : memref<1000000x32xf32, #tpu.memory_space<hbm>> -> memref<1x32xf32, #tpu.memory_space<hbm>>
      %dma_start3A_185 = arith.constant 0 : i32
      %dma_start3A_186 = tpu.memref_slice %arg6[%add3A_180, %dma_start3A_185] : memref<512x32xf32, #tpu.memory_space<vmem>> -> memref<1x32xf32, #tpu.memory_space<vmem>>
      %dma_start3A_187 = arith.constant 0 : i32
      %dma_start3A_188 = tpu.memref_slice %arg2[%squeeze3A_178, %dma_start3A_187] : memref<1000000x32xf32, #tpu.memory_space<hbm>> -> memref<1x32xf32, #tpu.memory_space<hbm>>
      tpu.enqueue_dma source(%dma_start3A_188 : memref<1x32xf32, #tpu.memory_space<hbm>>) target(%dma_start3A_186 : memref<1x32xf32, #tpu.memory_space<vmem>>) target_semaphore(%arg7 : memref<!tpu.dma_semaphore, #tpu.memory_space<semaphore_mem>>)
      %slice3A_189 = vector.extract_strided_slice %get3A_23 {offsets = [14], sizes = [1], strides = [1]} : vector<16xi32> to vector<1xi32>
      %squeeze3A_190 = vector.extract %slice3A_189[0] : i32 from vector<1xi32>
      %add3A_191 = arith.constant 14 : i32
      %add3A_192 = arith.addi %mul3A_21, %add3A_191 : i32
      %dma_start3A_193 = arith.constant 0 : i32
      %dma_start3A_194 = tpu.memref_slice %arg6[%add3A_192, %dma_start3A_193] : memref<512x32xf32, #tpu.memory_space<vmem>> -> memref<1x32xf32, #tpu.memory_space<vmem>>
      %dma_start3A_195 = arith.constant 0 : i32
      %dma_start3A_196 = tpu.memref_slice %arg2[%squeeze3A_190, %dma_start3A_195] : memref<1000000x32xf32, #tpu.memory_space<hbm>> -> memref<1x32xf32, #tpu.memory_space<hbm>>
      %dma_start3A_197 = arith.constant 0 : i32
      %dma_start3A_198 = tpu.memref_slice %arg6[%add3A_192, %dma_start3A_197] : memref<512x32xf32, #tpu.memory_space<vmem>> -> memref<1x32xf32, #tpu.memory_space<vmem>>
      %dma_start3A_199 = arith.constant 0 : i32
      %dma_start3A_200 = tpu.memref_slice %arg2[%squeeze3A_190, %dma_start3A_199] : memref<1000000x32xf32, #tpu.memory_space<hbm>> -> memref<1x32xf32, #tpu.memory_space<hbm>>
      tpu.enqueue_dma source(%dma_start3A_200 : memref<1x32xf32, #tpu.memory_space<hbm>>) target(%dma_start3A_198 : memref<1x32xf32, #tpu.memory_space<vmem>>) target_semaphore(%arg7 : memref<!tpu.dma_semaphore, #tpu.memory_space<semaphore_mem>>)
      %slice3A_201 = vector.extract_strided_slice %get3A_23 {offsets = [15], sizes = [1], strides = [1]} : vector<16xi32> to vector<1xi32>
      %squeeze3A_202 = vector.extract %slice3A_201[0] : i32 from vector<1xi32>
      %add3A_203 = arith.constant 15 : i32
      %add3A_204 = arith.addi %mul3A_21, %add3A_203 : i32
      %dma_start3A_205 = arith.constant 0 : i32
      %dma_start3A_206 = tpu.memref_slice %arg6[%add3A_204, %dma_start3A_205] : memref<512x32xf32, #tpu.memory_space<vmem>> -> memref<1x32xf32, #tpu.memory_space<vmem>>
      %dma_start3A_207 = arith.constant 0 : i32
      %dma_start3A_208 = tpu.memref_slice %arg2[%squeeze3A_202, %dma_start3A_207] : memref<1000000x32xf32, #tpu.memory_space<hbm>> -> memref<1x32xf32, #tpu.memory_space<hbm>>
      %dma_start3A_209 = arith.constant 0 : i32
      %dma_start3A_210 = tpu.memref_slice %arg6[%add3A_204, %dma_start3A_209] : memref<512x32xf32, #tpu.memory_space<vmem>> -> memref<1x32xf32, #tpu.memory_space<vmem>>
      %dma_start3A_211 = arith.constant 0 : i32
      %dma_start3A_212 = tpu.memref_slice %arg2[%squeeze3A_202, %dma_start3A_211] : memref<1000000x32xf32, #tpu.memory_space<hbm>> -> memref<1x32xf32, #tpu.memory_space<hbm>>
      tpu.enqueue_dma source(%dma_start3A_212 : memref<1x32xf32, #tpu.memory_space<hbm>>) target(%dma_start3A_210 : memref<1x32xf32, #tpu.memory_space<vmem>>) target_semaphore(%arg7 : memref<!tpu.dma_semaphore, #tpu.memory_space<semaphore_mem>>)
      %gt3A = arith.constant 0 : i32
      %gt3A_213 = arith.cmpi sgt, %scan3A_19, %gt3A : i32
      %convert_element_type3A = arith.extui %gt3A_213 : i1 to i32
      %cond3A = arith.constant 0 : i32
      %cond3A_214 = arith.cmpi ne, %convert_element_type3A, %cond3A : i32
      scf.if %cond3A_214 {
        %sub3A = arith.constant 1 : i32
        %sub3A_215 = arith.subi %scan3A_19, %sub3A : i32
        %mul3A_216 = arith.constant 16 : i32
        %mul3A_217 = arith.muli %sub3A_215, %mul3A_216 : i32
        %dma_wait3A_218 = arith.constant 0 : i32
        %dma_wait3A_219 = tpu.memref_slice %arg6[%mul3A_217, %dma_wait3A_218] : memref<512x32xf32, #tpu.memory_space<vmem>> -> memref<16x32xf32, #tpu.memory_space<vmem>>
        %dma_wait3A_220 = arith.constant 0 : i32
        %dma_wait3A_221 = arith.constant 0 : i32
        %dma_wait3A_222 = tpu.memref_slice %arg2[%dma_wait3A_220, %dma_wait3A_221] : memref<1000000x32xf32, #tpu.memory_space<hbm>> -> memref<16x32xf32, #tpu.memory_space<hbm>>
        %dma_wait3A_223 = arith.constant 0 : i32
        %dma_wait3A_224 = tpu.memref_slice %arg6[%mul3A_217, %dma_wait3A_223] : memref<512x32xf32, #tpu.memory_space<vmem>> -> memref<16x32xf32, #tpu.memory_space<vmem>>
        %dma_wait3A_225 = arith.constant 0 : i32
        %dma_wait3A_226 = arith.constant 0 : i32
        %dma_wait3A_227 = tpu.memref_slice %arg2[%dma_wait3A_225, %dma_wait3A_226] : memref<1000000x32xf32, #tpu.memory_space<hbm>> -> memref<16x32xf32, #tpu.memory_space<hbm>>
        tpu.wait_dma2 semaphore(%arg7 : memref<!tpu.dma_semaphore, #tpu.memory_space<semaphore_mem>>) src(%dma_wait3A_227 : memref<16x32xf32, #tpu.memory_space<hbm>>) dst(%dma_wait3A_224 : memref<16x32xf32, #tpu.memory_space<vmem>>)
      } else {
      }
    }
    %scan3A_5 = arith.constant 32 : i32
    %dma_wait3A = arith.constant 496 : i32
    %dma_wait3A_6 = arith.constant 0 : i32
    %dma_wait3A_7 = tpu.memref_slice %arg6[%dma_wait3A, %dma_wait3A_6] : memref<512x32xf32, #tpu.memory_space<vmem>> -> memref<16x32xf32, #tpu.memory_space<vmem>>
    %dma_wait3A_8 = arith.constant 0 : i32
    %dma_wait3A_9 = arith.constant 0 : i32
    %dma_wait3A_10 = tpu.memref_slice %arg2[%dma_wait3A_8, %dma_wait3A_9] : memref<1000000x32xf32, #tpu.memory_space<hbm>> -> memref<16x32xf32, #tpu.memory_space<hbm>>
    %dma_wait3A_11 = arith.constant 496 : i32
    %dma_wait3A_12 = arith.constant 0 : i32
    %dma_wait3A_13 = tpu.memref_slice %arg6[%dma_wait3A_11, %dma_wait3A_12] : memref<512x32xf32, #tpu.memory_space<vmem>> -> memref<16x32xf32, #tpu.memory_space<vmem>>
    %dma_wait3A_14 = arith.constant 0 : i32
    %dma_wait3A_15 = arith.constant 0 : i32
    %dma_wait3A_16 = tpu.memref_slice %arg2[%dma_wait3A_14, %dma_wait3A_15] : memref<1000000x32xf32, #tpu.memory_space<hbm>> -> memref<16x32xf32, #tpu.memory_space<hbm>>
    tpu.wait_dma2 semaphore(%arg7 : memref<!tpu.dma_semaphore, #tpu.memory_space<semaphore_mem>>) src(%dma_wait3A_16 : memref<16x32xf32, #tpu.memory_space<hbm>>) dst(%dma_wait3A_13 : memref<16x32xf32, #tpu.memory_space<vmem>>)
    %mul3A_17 = arith.constant 512 : i32
    %mul3A_18 = arith.muli %add3A, %mul3A_17 : i32
    "tpu.region"() ({
      %run_scoped3A = tpu.sem_alloc : memref<!tpu.dma_semaphore, #tpu.memory_space<semaphore_mem>>
      %dma_start3A = arith.constant 0 : i32
      %dma_start3A_19 = tpu.memref_slice %arg4[%mul3A_18, %dma_start3A] : memref<16384x32xf32, #tpu.memory_space<hbm>> -> memref<512x32xf32, #tpu.memory_space<hbm>>
      %dma_start3A_20 = arith.constant 0 : i32
      %dma_start3A_21 = tpu.memref_slice %arg4[%mul3A_18, %dma_start3A_20] : memref<16384x32xf32, #tpu.memory_space<hbm>> -> memref<512x32xf32, #tpu.memory_space<hbm>>
      tpu.enqueue_dma source(%arg6 : memref<512x32xf32, #tpu.memory_space<vmem>>) target(%dma_start3A_21 : memref<512x32xf32, #tpu.memory_space<hbm>>) target_semaphore(%run_scoped3A : memref<!tpu.dma_semaphore, #tpu.memory_space<semaphore_mem>>)
      %dma_wait3A_22 = arith.constant 0 : i32
      %dma_wait3A_23 = tpu.memref_slice %arg4[%mul3A_18, %dma_wait3A_22] : memref<16384x32xf32, #tpu.memory_space<hbm>> -> memref<512x32xf32, #tpu.memory_space<hbm>>
      %dma_wait3A_24 = arith.constant 0 : i32
      %dma_wait3A_25 = tpu.memref_slice %arg4[%mul3A_18, %dma_wait3A_24] : memref<16384x32xf32, #tpu.memory_space<hbm>> -> memref<512x32xf32, #tpu.memory_space<hbm>>
      tpu.wait_dma2 semaphore(%run_scoped3A : memref<!tpu.dma_semaphore, #tpu.memory_space<semaphore_mem>>) src(%arg6 : memref<512x32xf32, #tpu.memory_space<vmem>>) dst(%dma_wait3A_25 : memref<512x32xf32, #tpu.memory_space<hbm>>)
      tpu.yield
    }) : () -> ()
    return
  }
}

</mosaic_0001>

<sc_bundles>
// kernel: kernel.3.cloned.1.call-start
scs
__scs_entry_jumppad:
0x0: {  	(pc) =	sbr.rel $0x88, $3  }
0x1: {  	(tag) =	ssettag $0x0;
	lr =	simm.s32 $0x1  }
0x2: {  	[smem:$0x3F9F] =	sst lr;
	_ =	strace $0xD0000000  }
0x3: {  	_ = 	snop  }
0x4: {  	_ = 	snop  }
0x5: {  	_ = 	snop  }
0x6: {  	_ = 	snop  }
0x7: {  	_ = 	snop  }
__scs_overlays_trampoline_lowered:
0x8: {  	[smem:$0x3FAE] =	sst s0  }
0x9: {  	[smem:$0x3FAF] =	sst s1  }
0xa: {  	[smem:$0x3FB0] =	sst s2  }
0xb: {  	[smem:$0x3FB1] =	sst s3  }
0xc: {  	[smem:$0x3FB2] =	sst s4  }
0xd: {  	[smem:$0x3FB3] =	sst s5  }
0xe: {  	[smem:$0x3FB4] =	sst s6  }
0xf: {  	[smem:$0x3FB5] =	sst s7  }
0x10: {  	[smem:$0x3FB6] =	sst s8  }
0x11: {  	[smem:$0x3FB7] =	sst s9;
	s0 =	simm.s32 @!p0 $0x0  }
0x12: {  	s1 =	sld [smem:$0x3F9D];
	s0 =	simm.s32 @p0 $0x1  }
0x13: {  	[smem:$0x3FB8] =	sst s0;
	s0 =	simm.s32 @!p1 $0x0  }
0x14: {  	s2 =	sld [smem:$0x3F9C];
	s0 =	simm.s32 @p1 $0x1  }
0x15: {  	[smem:$0x3FB9] =	sst s0;
	s0 =	simm.s32 @!p2 $0x0  }
0x16: {  	s3 =	sld [smem:$0x3FDB];
	s0 =	simm.s32 @p2 $0x1  }
0x17: {  	s4 =	simm.s32 $0x1BF5;
	[smem:$0x3FBB] =	sst s0  }
0x18: {  	s0 =	sld [smem:$0x3F9E];
	_ =	swait.ge [sflag:s4], $0x0  }
0x19: {  	s7 =	sld [smem:$0x3F9F]  }
0x1a: {  	s8 =	sadd.s32 $0xFFFFE003, lr  }
0x1b: {  	s9 =	sadd.s32 $0xFFFFFEF7, lr;
	s5 =	simm.s32 $0xFFFFFFFF;
	p2 =	slt.u32 s8, $0xFFFFF086  }
0x1c: {  	p1 =	slt.u32 s9, $0xF7A;
	s5 =	simm.s32 @!p2 $0x0  }
0x1d: {  	s5 =	simm.s32 @p1 $0x1;
	p0 =	seq.s32 s7, s2  }
0x1e: {  	s7 =	smul.u32 @!p0 $0xF7A, s2;
	p2 =	seq.s32 @!p0 s5, $0x0  }
0x1f: {  	s9 =	smul.u32 $0xF7A, s1;
	s8 =	simm.s32 @!p0 $0x1BF5;
	p2 =	por !p2, p0  }
0x20: {  	[sflag:s8] =	ssyncset.s32 @!p0 $0xFFFFF086;
	s6 =	sadd.s32 @!p0 s3, s7;
	s7 =	simm.s32 @!p0 $0x108  }
0x21: {  	s3 =	sadd.s32 s3, s9;
	s6 =	sadd.s32 @!p0 $0x88, s6;
	s7 =	simm.s32 @p2 $0x1082  }
0x22: {  	[simem:s7], [sflag:s8] =	dma.local @!p0 [hbm:s6], $0xF7A  }
0x23: {  	s9 =	sor.u32 $0xD0000000, s2;
	s6 =	simm.s32 $0x108;
	_ =	swait.ge @!p0 [sflag:s8], $0x0  }
0x24: {  	s3 =	sadd.s32 $0x88, s3;
	s6 =	simm.s32 @!p1 $0x1082;
	[sflag:s4] =	ssyncset.s32 $0xFFFFF086  }
0x25: {  	[simem:s6], [sflag:s4] =	dma.local [hbm:s3], $0xF7A  }
0x26: {  	[smem:$0x3F9F] =	sst s1;
	(tag) =	ssettag s2;
	_ =	strace s9  }
0x27: {  	s1 =	sld [smem:$0x3FAF]  }
0x28: {  	s2 =	sld [smem:$0x3FB0]  }
0x29: {  	s4 =	sld [smem:$0x3FB2]  }
0x2a: {  	p0 =	seq.s32 s5, $0x0;
	s5 =	sld [smem:$0x3FB3]  }
0x2b: {  	s6 =	sld [smem:$0x3FB4]  }
0x2c: {  	s7 =	sld [smem:$0x3FB5]  }
0x2d: {  	s3 =	simm.s32 $0x108;
	s8 =	sld [smem:$0x3FB6]  }
0x2e: {  	s3 =	simm.s32 @!p0 $0x1082;
	s9 =	sld [smem:$0x3FB7]  }
0x2f: {  	lr =	sadd.s32 s0, s3;
	s0 =	sld [smem:$0x3FAE]  }
0x30: {  	s3 =	sld [smem:$0x3FB1]  }
0x31: {  	[smem:$0x3FBA] =	sst s10  }
0x32: {  	s10 =	sld [smem:$0x3FB8];
	_ =	sdelay $0x3  }
0x33: {  	p0 =	seq.s32 s10, $0x1;
	s10 =	sld [smem:$0x3FBA];
	_ =	sdelay $0x3  }
0x34: {  	[smem:$0x3FBA] =	sst s10  }
0x35: {  	s10 =	sld [smem:$0x3FB9];
	_ =	sdelay $0x3  }
0x36: {  	p1 =	seq.s32 s10, $0x1;
	s10 =	sld [smem:$0x3FBA];
	_ =	sdelay $0x3  }
0x37: {  	[smem:$0x3FBA] =	sst s10  }
0x38: {  	s10 =	sld [smem:$0x3FBB]  }
0x39: {  	_ = 	snop;
	(pc) =	sbr.ind lr, $3  }
0x3a: {  	_ = 	snop  }
0x3b: {  	_ = 	snop  }
0x3c: {  	p2 =	seq.s32 s10, $0x1;
	s10 =	sld [smem:$0x3FBA]  }
0x3d: {  	_ =	shalt  }
0x3e: {  	_ =	shalt  }
0x3f: {  	_ =	shalt  }
0x40: {  	_ =	shalt  }
0x41: {  	_ =	shalt  }
0x42: {  	_ =	shalt  }
0x43: {  	_ =	shalt  }
0x44: {  	_ =	shalt  }
0x45: {  	_ =	shalt  }
0x46: {  	_ =	shalt  }
0x47: {  	_ =	shalt  }
0x48: {  	_ =	shalt  }
0x49: {  	_ =	shalt  }
0x4a: {  	_ =	shalt  }
0x4b: {  	_ =	shalt  }
0x4c: {  	_ =	shalt  }
0x4d: {  	_ =	shalt  }
0x4e: {  	_ =	shalt  }
0x4f: {  	_ =	shalt  }
0x50: {  	_ =	shalt  }
0x51: {  	_ =	shalt  }
0x52: {  	_ =	shalt  }
0x53: {  	_ =	shalt  }
0x54: {  	_ =	shalt  }
0x55: {  	_ =	shalt  }
0x56: {  	_ =	shalt  }
0x57: {  	_ =	shalt  }
0x58: {  	_ =	shalt  }
0x59: {  	_ =	shalt  }
0x5a: {  	_ =	shalt  }
0x5b: {  	_ =	shalt  }
0x5c: {  	_ =	shalt  }
0x5d: {  	_ =	shalt  }
0x5e: {  	_ =	shalt  }
0x5f: {  	_ =	shalt  }
0x60: {  	_ =	shalt  }
0x61: {  	_ =	shalt  }
0x62: {  	_ =	shalt  }
0x63: {  	_ =	shalt  }
0x64: {  	_ =	shalt  }
0x65: {  	_ =	shalt  }
0x66: {  	_ =	shalt  }
0x67: {  	_ =	shalt  }
0x68: {  	_ =	shalt  }
0x69: {  	_ =	shalt  }
0x6a: {  	_ =	shalt  }
0x6b: {  	_ =	shalt  }
0x6c: {  	_ =	shalt  }
0x6d: {  	_ =	shalt  }
0x6e: {  	_ =	shalt  }
0x6f: {  	_ =	shalt  }
0x70: {  	_ =	shalt  }
0x71: {  	_ =	shalt  }
0x72: {  	_ =	shalt  }
0x73: {  	_ =	shalt  }
0x74: {  	_ =	shalt  }
0x75: {  	_ =	shalt  }
0x76: {  	_ =	shalt  }
0x77: {  	_ =	shalt  }
0x78: {  	_ =	shalt  }
0x79: {  	_ =	shalt  }
0x7a: {  	_ =	shalt  }
0x7b: {  	_ =	shalt  }
0x7c: {  	_ =	shalt  }
0x7d: {  	_ =	shalt  }
0x7e: {  	_ =	shalt  }
0x7f: {  	_ =	shalt  }
0x80: {  	_ =	shalt  }
0x81: {  	_ =	shalt  }
0x82: {  	_ =	shalt  }
0x83: {  	_ =	shalt  }
0x84: {  	_ =	shalt  }
0x85: {  	_ =	shalt  }
0x86: {  	_ =	shalt  }
0x87: {  	_ =	shalt  }
.Lfunc_end0:
.L_simem_size_0:
called_computation_lowered:
.L_overlay_start_0:
0x88: {  	s2 =	sld [smem:$0x3FD9]  }
0x89: {  	s3 =	sld [smem:$0x3FFE];
	_ =	sdelay $0x1  }
0x8a: {  	s1 =	srdreg.scid  }
0x8b: {  	s0 =	sand.u32 $0x1, s1  }
0x8c: {  	s17 =	sshll.u32 s0, $0xA;
	s2 =	sadd.s32 s3, s2  }
0x8d: {  	s2 =	sadd.s32 s2, s17  }
0x8e: {  	[smem:$0x3FC6] =	sst s2  }
0x8f: {  	_ = 	snop  }
0x90: {  	s2 =	sld [smem:$0x3FD0];
	(tm) =	ssettm $0x1  }
0x91: {  	s18 =	sld [smem:$0x3FFB];
	_ =	sdelay $0x3  }
0x92: {  	_ =	strace s18  }
0x93: {  	s3 =	sld [smem:$0x3FFC];
	_ =	sdelay $0x3  }
0x94: {  	_ =	strace s3  }
0x95: {  	s3 =	sld [smem:$0x3FFD];
	_ =	sdelay $0x3  }
0x96: {  	_ =	strace s3  }
0x97: {  	_ =	strace $0x8FFFFFFF  }
0x98: {  	s19 =	sld [smem:$0x3FDB];
	_ =	sdelay $0x1  }
0x99: {  	s4 =	simm.s32 $_scs_section_size  }
0x9a: {  	s5 =	simm.s32 $_size__tile_overlayer_lowered;
	s6 =	simm.s32 $_tile_overlayer_lowered  }
0x9b: {  	s22 =	simm.s32 $0x1BFF;
	s21 =	sshll.u32 s6, $0x1;
	s3 =	sadd.s32 s4, s19  }
0x9c: {  	s7 =	simm.s32 $0x0;
	s20 =	sshll.u32 s5, $0x1;
	s5 =	sadd.s32 s21, s3  }
0x9d: {  	[timem:s7], [sflag:s22] =	dma.local [hbm:s5], s20  }
0x9e: {  	_ =	swait.ge [sflag:s22], s20  }
0x9f: {  	s4 =	ssub.s32 $0x0, s20;
	[sflag:s22] =	ssyncset.done $0x0  }
0xa0: {  	[sflag:s22] =	ssyncadd.s32 s4;
	_ =	sdelay $0x1  }
0xa1: {  	s23 =	simm.s32 $0x1B8B  }
0xa2: {  	_ =	swait.ge [sflag:s23], $0x1  }
0xa3: {  	[sflag:s23] =	ssyncset.done $0x0  }
0xa4: {  	s25 =	simm.s32 $0x1B8E;
	s24 =	sld [smem:$0x3FFE];
	[sflag:s23] =	ssyncadd.s32 $0xFFFFFFFF  }
0xa5: {  	s26 =	simm.s32 $execute0_lowered;
	[smem:$0x3FD2] =	sst s25  }
0xa6: {  	s5 =	sshll.u32 s26, $0x1;
	_ =	strace $0x80000046;
	[dreg:$0x1] =	wrdreg $0xFFFFFFFF  }
0xa7: {  	s28 =	simm.s32 $_size_execute0_lowered;
	s3 =	sadd.s32 s3, s5;
	[dreg:$0x0] =	wrdreg $0x0  }
0xa8: {  	s5 =	sshll.u32 s28, $0x1;
	[dreg:$0x2] =	wrdreg s3  }
0xa9: {  	[dreg:$0x3] =	wrdreg s5  }
0xaa: {  	[dreg:$0x4] =	wrdreg $0xC0  }
0xab: {  	_ =	task [dreg:s7], $0x5FFFF  }
0xac: {  	[dreg:$0x1] =	wrdreg $0xFFFFFFFF  }
0xad: {  	[dreg:$0x0] =	wrdreg $0x60  }
0xae: {  	[dreg:$0x2] =	wrdreg s24  }
0xaf: {  	[dreg:$0x3] =	wrdreg s2  }
0xb0: {  	[dreg:$0x4] =	wrdreg $0x9  }
0xb1: {  	_ =	task.clear_ibuf [dreg:s7], $0x5FFFF;
	_ =	strace $0x90000046  }
0xb2: {  	s29 =	simm.s32 $0x9;
	_ =	strace $0x80000048  }
0xb3: {  	_ =	swait.ge [sflag:s29], $0x1  }
0xb4: {  	[sflag:s29] =	ssyncadd.s32 $0xFFFFFFFF  }
0xb5: {  	_ =	strace $0x90000048  }
0xb6: {  	_ =	sfence  }
0xb7: {  	s30 =	sld [smem:$0x0];
	_ =	sdelay $0x2  }
0xb8: {  	s31 =	sshll.u32 s1, $0xD;
	s1 =	sshrl.u32 s1, $0x2  }
0xb9: {  	s3 =	sand.u32 $0x4000, s31;
	s1 =	sadd.s32 s1, s30  }
0xba: {  	s0 =	sor.u32 s3, s0;
	s1 =	sshll.u32 s1, $0x11  }
0xbb: {  	s0 =	sor.u32 s1, s0  }
0xbc: {  	s0 =	sadd.s32 $0x8F2B, s0  }
0xbd: {  	[sflag:s0] =	ssyncadd.remote.s32 $0x1  }
0xbe: {  	_ =	sfence.sel $0xFFFF  }
0xbf: {  	[dreg:$0x0] =	wrdreg $0xFFFFFFFF;
	(pc) =	sbr.abs _section_cstart, $3  }
0xc0: {  	[dreg:$0x1] =	wrdreg $0xFFFFFFFF  }
0xc1: {  	_ =	task.clear_ibuf [dreg:s7], $0x2FFFF;
	_ =	strace $0x9FFFFFFF  }
0xc2: {  	(tm) =	ssettm $0x7FFFFFFF  }
0xc3: {  	_ =	shalt  }
tec
execute0_lowered:
.L_overlay_start_1:
0x0: {  	(tag) =	ssettag $0x1  }
0x1: {  	s0 =	rddreg [dreg:$0x0]  }
0x2: {  	s4 =	rddreg [dreg:$0x1]  }
0x3: {  	s3 =	srdreg.scid;
	s1 =	stileid.u32  }
0x4: {  	s2 =	simm.s32 $0x0;
	s9 =	simm.s32 $0x2;
	s10 =	simm.s32 $0x1  }
0x5: {  	s12 =	simm.s32 $0x0;
	s5 =	sand.u32 $0x1, s3;
	s28 =	sshll.u32 s1, $0x1  }
0x6: {  	[smem:$0x7FF] =	sst s2;
	s3 =	sadd.s32 $0x400, s0;
	s6 =	sor.u32 s5, s28  }
0x7: {  	s29 =	sshll.u32 s1, $0x7;
	s5 =	ssub.s32 $0x2, s5;
	s7 =	sshll.u32 s6, $0xD  }
0x8: {  	s6 =	sshll.u32 s6, $0x4;
	s0 =	sadd.s32 s7, s0;
	s7 =	sand.u32 $0x600, s29  }
0x9: {  	s8 =	sshrl.u32 s5, $0x1;
	s30 =	sand.u32 $0x70, s6;
	s4 =	sadd.s32 s4, s7  }
0xa: {  	_ =	strace $0x80000047;
	s8 =	ssub.s32 s5, s8;
	s31 =	sadd.s32 s30, s4  }
0xb: {  	s5 =	sadd.s32 $0xF42800, s0;
	s6 =	smax.u32 s8, $0x1;
	[dreg:$0x3] =	wrdreg s31  }
.LBB2_1:
0xc: {  	s0 =	rddreg [dreg:$0x3];
	s1 =	simm.s32 $0x80;
	s4 =	simm.s32 $0x400  }
0xd: {  	[tilespmem:s2], [sflag:$0x2] =	stream.strided.gather [hbm4b:s0+s1], $0x200, s4, s1, $0x38;
	[tilespmem:$0x10200] =	vst v63  }
0xe: {  	_ =	swait.ge [sflag:s9], $0x200  }
0xf: {  	[sflag:s9] =	ssyncset.done $0x0  }
0x10: {  	[sflag:s9] =	ssyncadd.s32 $0xFFFFFE00  }
0x11: {  	v0 =	vld [tilespmem:s2+$0x0];
	_ =	sdelay $0x4  }
0x12: {  	v0 =	vshll.u32 v0, $0x4  }
0x13: {  	(v2sf) =	vpush v0, $0x2  }
0x14: {  	(v2sf) =	vpush v0, $0x0  }
0x15: {  	(v2sf) =	vpush v0, $0x1  }
0x16: {  	(v2sf) =	vpush v0, $0x3;
	_ =	sdelay $0x1  }
0x17: {  	(v2sf) =	vpush v0, $0x4;
	_ =	sdelay $0x2  }
0x18: {  	(v2sf) =	vpush v0, $0x5;
	_ =	sdelay $0x1  }
0x19: {  	(v2sf) =	vpush v0, $0x6  }
0x1a: {  	p0 =	por $0x1, $0x1  }
0x1b: {  	s14 =	simm.s32 $0x4000;
	s16 =	simm.s32 $0x200;
	s18 =	simm.s32 $0x300;
	(v2sf) =	vpush v0, $0x7  }
0x1c: {  	s21 =	simm.s32 $0x380;
	s23 =	simm.s32 $0x400;
	s25 =	simm.s32 $0x480  }
0x1d: {  	s30 =	simm.s32 $0x500;
	s7 =	simm.s32 $0x600;
	p2 =	por $0x0, $0x0  }
0x1e: {  	p0 =	por p0, p0;
	s1 =	simm.s32 $0x580;
	s11 =	spop (v2sf)  }
0x1f: {  	p1 =	por p0, p0;
	p0 =	por p2, p2;
	(v2sf) =	vpush v0, $0x8;
	s13 =	spop (v2sf)  }
0x20: {  	s0 =	sand.u32 $0x1FFFFFF0, s11;
	s13 =	sand.u32 $0x1FFFFFF0, s13;
	s15 =	spop (v2sf)  }
0x21: {  	(v2sf) =	vpush v0, $0x9;
	s0 =	sadd.s32 s3, s0;
	s13 =	sadd.s32 s3, s13;
	s19 =	spop (v2sf)  }
0x22: {  	[tilespmem:s16], [sflag:$0x1] =	stream.linear.gather [hbm4b:s13+s2], $0x80, $0x38;
	[tilespmem:$0x10200] =	vst v63  }
0x23: {  	(v2sf) =	vpush v0, $0xA;
	s17 =	sand.u32 $0x1FFFFFF0, s15;
	s15 =	simm.s32 $0x980;
	s20 =	spop (v2sf)  }
0x24: {  	s16 =	simm.s32 $0x280;
	s17 =	sadd.s32 s3, s17;
	s22 =	sand.u32 $0x1FFFFFF0, s20  }
0x25: {  	(v2sf) =	vpush v0, $0xB;
	[tilespmem:s16], [sflag:$0x1] =	stream.linear.gather [hbm4b:s17+s2], $0x80, $0x38;
	[tilespmem:$0x10200] =	vst v63  }
0x26: {  	s24 =	spop (v2sf);
	s16 =	sand.u32 $0x1FFFFFF0, s19;
	s13 =	sadd.s32 s3, s22  }
0x27: {  	(v2sf) =	vpush v0, $0xC;
	[tilespmem:s18], [sflag:$0x1] =	stream.linear.gather [hbm4b:s0+s2], $0x80, $0x38;
	[tilespmem:$0x10200] =	vst v63  }
0x28: {  	s26 =	sand.u32 $0x1FFFFFF0, s24;
	s28 =	spop (v2sf);
	s16 =	sadd.s32 s3, s16  }
0x29: {  	(v2sf) =	vpush v0, $0xD;
	[tilespmem:s21], [sflag:$0x1] =	stream.linear.gather [hbm4b:s16+s2], $0x80, $0x38;
	[tilespmem:$0x10200] =	vst v63  }
0x2a: {  	s17 =	simm.s32 $0x680;
	s19 =	simm.s32 $0x700;
	s29 =	spop (v2sf)  }
0x2b: {  	[tilespmem:s23], [sflag:$0x1] =	stream.linear.gather [hbm4b:s13+s2], $0x80, $0x38;
	[tilespmem:$0x10200] =	vst v63  }
0x2c: {  	s31 =	sand.u32 $0x1FFFFFF0, s29;
	s16 =	sand.u32 $0x1FFFFFF0, s28;
	s13 =	sadd.s32 s3, s26  }
0x2d: {  	(v2sf) =	vpush v0, $0xE;
	[tilespmem:s25], [sflag:$0x1] =	stream.linear.gather [hbm4b:s13+s2], $0x80, $0x38;
	[tilespmem:$0x10200] =	vst v63  }
0x2e: {  	s21 =	simm.s32 $0x780;
	s16 =	sadd.s32 s3, s16;
	s4 =	spop (v2sf)  }
0x2f: {  	(v2sf) =	vpush v0, $0xF;
	[tilespmem:s30], [sflag:$0x1] =	stream.linear.gather [hbm4b:s16+s2], $0x80, $0x38;
	[tilespmem:$0x10200] =	vst v63  }
0x30: {  	s13 =	sadd.s32 s3, s31;
	s8 =	sand.u32 $0x1FFFFFF0, s4;
	s11 =	spop (v2sf)  }
0x31: {  	[tilespmem:s1], [sflag:$0x1] =	stream.linear.gather [hbm4b:s13+s2], $0x80, $0x38;
	[tilespmem:$0x10200] =	vst v63  }
0x32: {  	s16 =	sand.u32 $0x1FFFFFF0, s11;
	s18 =	spop (v2sf);
	s13 =	sadd.s32 s3, s8  }
0x33: {  	[tilespmem:s7], [sflag:$0x1] =	stream.linear.gather [hbm4b:s13+s2], $0x80, $0x38;
	[tilespmem:$0x10200] =	vst v63  }
0x34: {  	s16 =	sadd.s32 s3, s16;
	s20 =	spop (v2sf);
	s13 =	sand.u32 $0x1FFFFFF0, s18  }
0x35: {  	[tilespmem:s17], [sflag:$0x1] =	stream.linear.gather [hbm4b:s16+s2], $0x80, $0x38;
	[tilespmem:$0x10200] =	vst v63  }
0x36: {  	s22 =	spop (v2sf);
	s13 =	sadd.s32 s3, s13;
	s16 =	sand.u32 $0x1FFFFFF0, s20  }
0x37: {  	[tilespmem:s19], [sflag:$0x1] =	stream.linear.gather [hbm4b:s13+s2], $0x80, $0x38;
	[tilespmem:$0x10200] =	vst v63  }
0x38: {  	s24 =	spop (v2sf);
	s16 =	sadd.s32 s3, s16;
	s13 =	sand.u32 $0x1FFFFFF0, s22  }
0x39: {  	[tilespmem:s21], [sflag:$0x1] =	stream.linear.gather [hbm4b:s16+s2], $0x80, $0x38;
	[tilespmem:$0x10200] =	vst v63  }
0x3a: {  	s23 =	simm.s32 $0x800;
	s13 =	sadd.s32 s3, s13;
	s16 =	sand.u32 $0x1FFFFFF0, s24  }
0x3b: {  	[tilespmem:s23], [sflag:$0x1] =	stream.linear.gather [hbm4b:s13+s2], $0x80, $0x38;
	[tilespmem:$0x10200] =	vst v63  }
0x3c: {  	s28 =	simm.s32 $0x880;
	s25 =	spop (v2sf);
	s16 =	sadd.s32 s3, s16  }
0x3d: {  	[tilespmem:s28], [sflag:$0x1] =	stream.linear.gather [hbm4b:s16+s2], $0x80, $0x38;
	[tilespmem:$0x10200] =	vst v63  }
0x3e: {  	s29 =	simm.s32 $0x900;
	s26 =	sand.u32 $0x1FFFFFF0, s25;
	s30 =	spop (v2sf)  }
0x3f: {  	s18 =	simm.s32 @!p1 $0x1;
	s0 =	sadd.s32 s3, s26;
	s31 =	sand.u32 $0x1FFFFFF0, s30  }
0x40: {  	[tilespmem:s29], [sflag:$0x1] =	stream.linear.gather [hbm4b:s0+s2], $0x80, $0x38;
	[tilespmem:$0x10200] =	vst v63  }
0x41: {  	s13 =	simm.s32 $0x800;
	s16 =	simm.s32 $0x10;
	s0 =	sadd.s32 s3, s31  }
.LBB2_2:
0x42: {  	s29 =	sadd.s32 $0x280, s13  }
0x43: {  	s24 =	sadd.s32 $0x980, s13;
	s17 =	smov.u32 s14;
	s14 =	sadd.s32 $0x2000, s14  }
0x44: {  	[tilespmem:s15], [sflag:$0x1] =	stream.linear.gather [hbm4b:s0+s2], $0x80, $0x38;
	[tilespmem:$0x10200] =	vst v63  }
0x45: {  	s22 =	sadd.s32 $0x480, s13;
	s19 =	sadd.s32 $0x600, s13;
	_ =	swait.ge @!p1 [sflag:s18], $0x800  }
0x46: {  	s26 =	sadd.s32 $0x400, s13;
	s0 =	sadd.s32 $0x200, s13;
	[sflag:s18] =	ssyncset.done @!p1 $0x0  }
0x47: {  	s23 =	sadd.s32 $0x500, s13;
	p3 =	seq.s32 s17, $0x0;
	[sflag:s18] =	ssyncadd.s32 @!p1 $0xFFFFF800  }
0x48: {  	s30 =	sadd.s32 $0x300, s13;
	s20 =	sadd.s32 $0x700, s13;
	p2 =	sne.s32 s14, $0x40000;
	v0 =	vld [tilespmem:s16+$0x0]  }
0x49: {  	s21 =	sadd.s32 $0x680, s13;
	s15 =	smov.u32 s24;
	p1 =	por p0, p0  }
0x4a: {  	p0 =	por p3, p3;
	_ =	sdelay $0x1  }
0x4b: {  	s31 =	sadd.s32 $0x380, s13  }
0x4c: {  	v0 =	vshll.u32 v0, $0x4  }
0x4d: {  	(v2sf) =	vpush v0, $0x2  }
0x4e: {  	(v2sf) =	vpush v0, $0x0  }
0x4f: {  	(v2sf) =	vpush v0, $0x1  }
0x50: {  	(v2sf) =	vpush v0, $0x3;
	_ =	sdelay $0x1  }
0x51: {  	(v2sf) =	vpush v0, $0x4;
	_ =	sdelay $0x1  }
0x52: {  	(v2sf) =	vpush v0, $0x5;
	_ =	sdelay $0x1  }
0x53: {  	(v2sf) =	vpush v0, $0x6;
	_ =	sdelay $0x1  }
0x54: {  	(v2sf) =	vpush v0, $0x7;
	_ =	sdelay $0x1  }
0x55: {  	s25 =	sadd.s32 $0x800, s13;
	(v2sf) =	vpush v0, $0x8  }
0x56: {  	s28 =	sadd.s32 $0x780, s13  }
0x57: {  	s18 =	simm.s32 @!p1 $0x1;
	s16 =	sadd.s32 $0x10, s16;
	s24 =	spop (v2sf);
	(v2sf) =	vpush v0, $0x9  }
0x58: {  	s1 =	sand.u32 $0x1FFFFFF0, s24;
	s24 =	sadd.s32 $0x900, s13;
	s7 =	spop (v2sf)  }
0x59: {  	s8 =	sadd.s32 $0x580, s13;
	s7 =	sand.u32 $0x1FFFFFF0, s7;
	s11 =	spop (v2sf);
	(v2sf) =	vpush v0, $0xA  }
0x5a: {  	s7 =	sadd.s32 s3, s7;
	s11 =	sand.u32 $0x1FFFFFF0, s11;
	s4 =	spop (v2sf)  }
0x5b: {  	[tilespmem:s0], [sflag:$0x1] =	stream.linear.gather [hbm4b:s7+s2], $0x80, $0x38;
	(v2sf) =	vpush v0, $0xB;
	[tilespmem:$0x10200] =	vst v63  }
0x5c: {  	s0 =	sadd.s32 s3, s11;
	s4 =	sand.u32 $0x1FFFFFF0, s4;
	s7 =	spop (v2sf)  }
0x5d: {  	[tilespmem:s29], [sflag:$0x1] =	stream.linear.gather [hbm4b:s0+s2], $0x80, $0x38;
	(v2sf) =	vpush v0, $0xC;
	[tilespmem:$0x10200] =	vst v63  }
0x5e: {  	s0 =	sadd.s32 s3, s1;
	s1 =	sand.u32 $0x1FFFFFF0, s7;
	s7 =	spop (v2sf)  }
0x5f: {  	[tilespmem:s30], [sflag:$0x1] =	stream.linear.gather [hbm4b:s0+s2], $0x80, $0x38;
	(v2sf) =	vpush v0, $0xD;
	[tilespmem:$0x10200] =	vst v63  }
0x60: {  	s0 =	sadd.s32 s3, s4;
	s4 =	sand.u32 $0x1FFFFFF0, s7;
	s7 =	spop (v2sf)  }
0x61: {  	[tilespmem:s31], [sflag:$0x1] =	stream.linear.gather [hbm4b:s0+s2], $0x80, $0x38;
	(v2sf) =	vpush v0, $0xE;
	[tilespmem:$0x10200] =	vst v63  }
0x62: {  	s0 =	sadd.s32 s3, s1;
	s1 =	sand.u32 $0x1FFFFFF0, s7;
	s7 =	spop (v2sf)  }
0x63: {  	[tilespmem:s26], [sflag:$0x1] =	stream.linear.gather [hbm4b:s0+s2], $0x80, $0x38;
	(v2sf) =	vpush v0, $0xF;
	[tilespmem:$0x10200] =	vst v63  }
0x64: {  	s0 =	sadd.s32 s3, s4;
	s4 =	sand.u32 $0x1FFFFFF0, s7;
	s7 =	spop (v2sf)  }
0x65: {  	[tilespmem:s22], [sflag:$0x1] =	stream.linear.gather [hbm4b:s0+s2], $0x80, $0x38;
	[tilespmem:$0x10200] =	vst v63  }
0x66: {  	s0 =	sadd.s32 s3, s1;
	s1 =	sand.u32 $0x1FFFFFF0, s7;
	s7 =	spop (v2sf)  }
0x67: {  	[tilespmem:s23], [sflag:$0x1] =	stream.linear.gather [hbm4b:s0+s2], $0x80, $0x38;
	[tilespmem:$0x10200] =	vst v63  }
0x68: {  	s0 =	sadd.s32 s3, s4;
	s4 =	sand.u32 $0x1FFFFFF0, s7;
	s7 =	spop (v2sf)  }
0x69: {  	[tilespmem:s8], [sflag:$0x1] =	stream.linear.gather [hbm4b:s0+s2], $0x80, $0x38;
	[tilespmem:$0x10200] =	vst v63  }
0x6a: {  	s0 =	sadd.s32 s3, s1;
	s1 =	sand.u32 $0x1FFFFFF0, s7;
	s7 =	spop (v2sf)  }
0x6b: {  	[tilespmem:s19], [sflag:$0x1] =	stream.linear.gather [hbm4b:s0+s2], $0x80, $0x38;
	[tilespmem:$0x10200] =	vst v63  }
0x6c: {  	s0 =	sadd.s32 s3, s4;
	s4 =	sand.u32 $0x1FFFFFF0, s7;
	s7 =	spop (v2sf)  }
0x6d: {  	[tilespmem:s21], [sflag:$0x1] =	stream.linear.gather [hbm4b:s0+s2], $0x80, $0x38;
	[tilespmem:$0x10200] =	vst v63  }
0x6e: {  	s0 =	sadd.s32 s3, s1;
	s1 =	sand.u32 $0x1FFFFFF0, s7;
	s7 =	spop (v2sf)  }
0x6f: {  	[tilespmem:s20], [sflag:$0x1] =	stream.linear.gather [hbm4b:s0+s2], $0x80, $0x38;
	[tilespmem:$0x10200] =	vst v63  }
0x70: {  	s0 =	sadd.s32 s3, s4;
	s4 =	sand.u32 $0x1FFFFFF0, s7;
	s7 =	spop (v2sf)  }
0x71: {  	[tilespmem:s28], [sflag:$0x1] =	stream.linear.gather [hbm4b:s0+s2], $0x80, $0x38;
	[tilespmem:$0x10200] =	vst v63  }
0x72: {  	s0 =	sadd.s32 s3, s1;
	s1 =	sand.u32 $0x1FFFFFF0, s7;
	s7 =	spop (v2sf)  }
0x73: {  	[tilespmem:s25], [sflag:$0x1] =	stream.linear.gather [hbm4b:s0+s2], $0x80, $0x38;
	[tilespmem:$0x10200] =	vst v63  }
.Ltmp0:
0x74: {  	_ = 	snop;
	(pc) =	sbr.rel @p2 .LBB2_2-.Ltmp0, $4  }
0x75: {  	s4 =	sadd.s32 s3, s4;
	s0 =	sadd.s32 $0x880, s13;
	s7 =	sand.u32 $0x1FFFFFF0, s7  }
0x76: {  	[tilespmem:s0], [sflag:$0x1] =	stream.linear.gather [hbm4b:s4+s2], $0x80, $0x38;
	[tilespmem:$0x10200] =	vst v63  }
0x77: {  	s1 =	sadd.s32 s3, s1;
	s13 =	sshra.s32 s17, $0x2;
	s0 =	sadd.s32 s3, s7  }
0x78: {  	[tilespmem:s24], [sflag:$0x1] =	stream.linear.gather [hbm4b:s1+s2], $0x80, $0x38;
	[tilespmem:$0x10200] =	vst v63  }
0x79: {  	[tilespmem:s15], [sflag:$0x1] =	stream.linear.gather [hbm4b:s0+s2], $0x80, $0x38;
	[tilespmem:$0x10200] =	vst v63  }
0x7a: {  	_ =	swait.ge @!p1 [sflag:s18], $0x800  }
0x7b: {  	[sflag:s18] =	ssyncset.done @!p1 $0x0  }
0x7c: {  	[sflag:s18] =	ssyncadd.s32 @!p1 $0xFFFFF800  }
0x7d: {  	v0 =	vld [tilespmem:s16+$0x0];
	_ =	sdelay $0x4  }
0x7e: {  	v0 =	vshll.u32 v0, $0x4  }
0x7f: {  	(v2sf) =	vpush v0, $0x2;
	_ =	sdelay $0x1  }
0x80: {  	(v2sf) =	vpush v0, $0x0;
	_ =	sdelay $0x1  }
0x81: {  	(v2sf) =	vpush v0, $0x1;
	_ =	sdelay $0x2  }
0x82: {  	(v2sf) =	vpush v0, $0x3;
	_ =	sdelay $0x7  }
0x83: {  	s21 =	spop (v2sf);
	(v2sf) =	vpush v0, $0x4;
	_ =	sdelay $0x1  }
0x84: {  	s1 =	spop (v2sf);
	(v2sf) =	vpush v0, $0x5;
	_ =	sdelay $0x1  }
0x85: {  	s22 =	spop (v2sf);
	(v2sf) =	vpush v0, $0x6;
	_ =	sdelay $0x2  }
0x86: {  	s1 =	sand.u32 $0x1FFFFFF0, s1;
	s25 =	spop (v2sf);
	(v2sf) =	vpush v0, $0x7  }
0x87: {  	s4 =	sadd.s32 $0x200, s13;
	s1 =	sadd.s32 s3, s1  }
0x88: {  	[tilespmem:s4], [sflag:$0x1] =	stream.linear.gather [hbm4b:s1+s2], $0x80, $0x38;
	[tilespmem:$0x10200] =	vst v63  }
0x89: {  	s1 =	sand.u32 $0x1FFFFFF0, s22  }
0x8a: {  	s23 =	sadd.s32 $0x280, s13;
	s0 =	sand.u32 $0x1FFFFFF0, s21;
	s1 =	sadd.s32 s3, s1  }
0x8b: {  	[tilespmem:s23], [sflag:$0x1] =	stream.linear.gather [hbm4b:s1+s2], $0x80, $0x38;
	[tilespmem:$0x10200] =	vst v63  }
0x8c: {  	s24 =	sadd.s32 $0x300, s13;
	s0 =	sadd.s32 s3, s0  }
0x8d: {  	[tilespmem:s24], [sflag:$0x1] =	stream.linear.gather [hbm4b:s0+s2], $0x80, $0x38;
	[tilespmem:$0x10200] =	vst v63  }
0x8e: {  	s28 =	spop (v2sf);
	(v2sf) =	vpush v0, $0x8  }
0x8f: {  	s0 =	sand.u32 $0x1FFFFFF0, s25  }
0x90: {  	s26 =	sadd.s32 $0x380, s13;
	s0 =	sadd.s32 s3, s0;
	s30 =	spop (v2sf);
	(v2sf) =	vpush v0, $0x9  }
0x91: {  	[tilespmem:s26], [sflag:$0x1] =	stream.linear.gather [hbm4b:s0+s2], $0x80, $0x38;
	[tilespmem:$0x10200] =	vst v63  }
0x92: {  	s0 =	sand.u32 $0x1FFFFFF0, s28;
	s4 =	spop (v2sf);
	(v2sf) =	vpush v0, $0xA  }
0x93: {  	s29 =	sadd.s32 $0x400, s13;
	s0 =	sadd.s32 s3, s0  }
0x94: {  	[tilespmem:s29], [sflag:$0x1] =	stream.linear.gather [hbm4b:s0+s2], $0x80, $0x38;
	[tilespmem:$0x10200] =	vst v63  }
0x95: {  	s8 =	spop (v2sf);
	(v2sf) =	vpush v0, $0xB  }
0x96: {  	s0 =	sand.u32 $0x1FFFFFF0, s30  }
0x97: {  	s31 =	sadd.s32 $0x480, s13;
	s0 =	sadd.s32 s3, s0  }
0x98: {  	[tilespmem:s31], [sflag:$0x1] =	stream.linear.gather [hbm4b:s0+s2], $0x80, $0x38;
	[tilespmem:$0x10200] =	vst v63  }
0x99: {  	s0 =	sand.u32 $0x1FFFFFF0, s4  }
0x9a: {  	s7 =	sadd.s32 $0x500, s13;
	s0 =	sadd.s32 s3, s0  }
0x9b: {  	[tilespmem:s7], [sflag:$0x1] =	stream.linear.gather [hbm4b:s0+s2], $0x80, $0x38;
	[tilespmem:$0x10200] =	vst v63  }
0x9c: {  	s0 =	sand.u32 $0x1FFFFFF0, s8  }
0x9d: {  	s11 =	sadd.s32 $0x580, s13;
	s0 =	sadd.s32 s3, s0;
	s14 =	spop (v2sf);
	(v2sf) =	vpush v0, $0xC  }
0x9e: {  	[tilespmem:s11], [sflag:$0x1] =	stream.linear.gather [hbm4b:s0+s2], $0x80, $0x38;
	[tilespmem:$0x10200] =	vst v63  }
0x9f: {  	s16 =	spop (v2sf);
	(v2sf) =	vpush v0, $0xD  }
0xa0: {  	s0 =	sand.u32 $0x1FFFFFF0, s14  }
0xa1: {  	s15 =	sadd.s32 $0x600, s13;
	s0 =	sadd.s32 s3, s0;
	s18 =	spop (v2sf)  }
0xa2: {  	(v2sf) =	vpush v0, $0xE;
	[tilespmem:s15], [sflag:$0x1] =	stream.linear.gather [hbm4b:s0+s2], $0x80, $0x38;
	[tilespmem:$0x10200] =	vst v63  }
0xa3: {  	s0 =	sand.u32 $0x1FFFFFF0, s16  }
0xa4: {  	s17 =	sadd.s32 $0x680, s13;
	s20 =	spop (v2sf);
	s0 =	sadd.s32 s3, s0  }
0xa5: {  	(v2sf) =	vpush v0, $0xF;
	[tilespmem:s17], [sflag:$0x1] =	stream.linear.gather [hbm4b:s0+s2], $0x80, $0x38;
	[tilespmem:$0x10200] =	vst v63  }
0xa6: {  	s0 =	sand.u32 $0x1FFFFFF0, s18  }
0xa7: {  	s19 =	sadd.s32 $0x700, s13;
	s0 =	sadd.s32 s3, s0  }
0xa8: {  	[tilespmem:s19], [sflag:$0x1] =	stream.linear.gather [hbm4b:s0+s2], $0x80, $0x38;
	[tilespmem:$0x10200] =	vst v63  }
0xa9: {  	s0 =	sand.u32 $0x1FFFFFF0, s20  }
0xaa: {  	s21 =	sadd.s32 $0x780, s13;
	s0 =	sadd.s32 s3, s0  }
0xab: {  	[tilespmem:s21], [sflag:$0x1] =	stream.linear.gather [hbm4b:s0+s2], $0x80, $0x38;
	[tilespmem:$0x10200] =	vst v63  }
0xac: {  	s22 =	spop (v2sf)  }
0xad: {  	s0 =	sand.u32 $0x1FFFFFF0, s22  }
0xae: {  	s23 =	sadd.s32 $0x800, s13;
	s24 =	spop (v2sf);
	s0 =	sadd.s32 s3, s0  }
0xaf: {  	[tilespmem:s23], [sflag:$0x1] =	stream.linear.gather [hbm4b:s0+s2], $0x80, $0x38;
	[tilespmem:$0x10200] =	vst v63  }
0xb0: {  	s0 =	sand.u32 $0x1FFFFFF0, s24  }
0xb1: {  	s25 =	sadd.s32 $0x880, s13;
	s26 =	spop (v2sf);
	s0 =	sadd.s32 s3, s0  }
0xb2: {  	[tilespmem:s25], [sflag:$0x1] =	stream.linear.gather [hbm4b:s0+s2], $0x80, $0x38;
	[tilespmem:$0x10200] =	vst v63  }
0xb3: {  	s0 =	sand.u32 $0x1FFFFFF0, s26  }
0xb4: {  	s28 =	sadd.s32 $0x900, s13;
	s29 =	spop (v2sf);
	s0 =	sadd.s32 s3, s0  }
0xb5: {  	[tilespmem:s28], [sflag:$0x1] =	stream.linear.gather [hbm4b:s0+s2], $0x80, $0x38;
	[tilespmem:$0x10200] =	vst v63  }
0xb6: {  	s0 =	sand.u32 $0x1FFFFFF0, s29  }
0xb7: {  	p0 =	por p0, p0;
	s30 =	sadd.s32 $0x980, s13;
	s0 =	sadd.s32 s3, s0  }
0xb8: {  	[tilespmem:s30], [sflag:$0x1] =	stream.linear.gather [hbm4b:s0+s2], $0x80, $0x38;
	[tilespmem:$0x10200] =	vst v63  }
0xb9: {  	s0 =	simm.s32 @!p0 $0x1  }
0xba: {  	_ =	swait.ge @!p0 [sflag:s0], $0x800  }
0xbb: {  	[sflag:s0] =	ssyncset.done @!p0 $0x0  }
0xbc: {  	[sflag:s0] =	ssyncadd.s32 @!p0 $0xFFFFF800  }
0xbd: {  	s12 =	sadd.s32 $0x1, s12;
	_ =	swait.ge [sflag:s10], $0x800  }
0xbe: {  	p0 =	sne.s32 s12, s6;
	[sflag:s10] =	ssyncset.done $0x0  }
.Ltmp1:
0xbf: {  	s31 =	simm.s32 $0x200;
	[sflag:s10] =	ssyncadd.s32 $0xFFFFF800;
	(pc) =	sbr.rel @p0 .LBB2_1-.Ltmp1, $4  }
0xc0: {  	[hbm4b:s5+s2] =	stream.linear.scatter [tilespmem:s31], [sflag:$0x2], $0x10000, $0x38;
	[tilespmem:$0x10200] =	vst v63  }
0xc1: {  	_ =	swait.ge [sflag:s9], $0x10000  }
0xc2: {  	[sflag:s9] =	ssyncset.done $0x0  }
0xc3: {  	[sflag:s9] =	ssyncadd.s32 $0xFFFF0000  }
0xc4: {  	_ =	sfence.sel $0x180000  }
0xc5: {  	[bflag:$0x0] =	sbarrier.arrive $0xFFFF  }
0xc6: {  	_ =	strace $0x90000047  }
0xc7: {  	s0 =	stileid.u32;
	[bflag:$0x2] =	sbarrier.arrive $0xFFFF  }
0xc8: {  	p0 =	sne.s32 s0, $0x0;
	s0 =	rddreg [dreg:$0x2]  }
0xc9: {  	s0 =	sadd.s32 @!p0 $0x100000, s0  }
0xca: {  	[sflag:s0] =	ssyncadd.tile.s32 @!p0 $0x1;
	_ =	shalt  }
.Lfunc_end2:
_tile_overlayer_lowered:
.L_overlay_start_2:
0xcb: {  	(tag) =	ssettag $0x2  }
0xcc: {  	s0 =	rddreg [dreg:$0x0];
	s2 =	stileid.u32  }
0xcd: {  	s1 =	rddreg [dreg:$0x1];
	p0 =	sne.s32 s2, $0x0  }
0xce: {  	s3 =	rddreg [dreg:$0x2];
	[bflag:$0x3] =	sbarrier.arrive $0xFFFF;
	s2 =	simm.s32 @!p0 $0x1C02  }
0xcf: {  	[timem:s3], [sflag:s2] =	dma.local @!p0 [hbm:s0], s1  }
0xd0: {  	s0 =	simm.s32 @!p0 $0x2  }
0xd1: {  	_ =	swait.ge @!p0 [sflag:s0], s1  }
0xd2: {  	s1 =	ssub.s32 @!p0 $0x0, s1;
	[sflag:s0] =	ssyncset.done @!p0 $0x0  }
0xd3: {  	[sflag:s0] =	ssyncadd.s32 @!p0 s1  }
0xd4: {  	[bflag:$0x3] =	sbarrier.arrive $0xFFFF  }
0xd5: {  	_ =	shalt  }

</sc_bundles>
